<compile_context>
chip_gen: v7x
topology: tpu7x:2x2x1
jax: 0.10.2.dev20260603
libtpu: 0.0.44.dev20260713+nightly
codegen_flags: <defaults>
</compile_context>

<pallas_src>
import functools

import jax
import jax.numpy as jnp
from jax import lax
from jax.experimental import pallas as pl
from jax.experimental.pallas import tpu as pltpu
from jax.experimental.pallas import tpu_sc as plsc

_SEQ_BLK = 4096
_BH_BLK = 4


def _copy_body(cache_ref, out_ref):
    out_ref[...] = cache_ref[...]


def _sc_scatter_body(panes_per_w, num_cores, seq,
                     update_hbm, pos_hbm, out_ref, upd_v, pos_v, sem):
    c = lax.axis_index("c")
    s = lax.axis_index("s")
    wid = s * num_cores + c
    upd_len = upd_v.shape[1]

    pltpu.sync_copy(pos_hbm, pos_v)
    pos = pl.multiple_of(pos_v[...][0], 8)

    for p in range(panes_per_w):
        pane = wid * panes_per_w + p
        cp_u = pltpu.make_async_copy(
            update_hbm.at[pl.ds(pane * upd_len, upd_len), :],
            upd_v.at[0],
            sem,
        )
        cp_u.start()
        cp_u.wait()
        cp_w = pltpu.make_async_copy(
            upd_v.at[0],
            out_ref.at[pl.ds(pane * seq + pos, upd_len), :],
            sem,
        )
        cp_w.start()
        cp_w.wait()


def kernel(cache, update, pos):
    b, h, s, d = cache.shape
    upd_len = update.shape[-2]
    bh = b * h
    cache3 = cache.reshape(bh, s, d)
    update2 = update.reshape(bh * upd_len, d)
    pos_arr = jnp.full((16,), pos, jnp.int32)

    cloned = pl.pallas_call(
        _copy_body,
        grid=(bh // _BH_BLK,),
        in_specs=[pl.BlockSpec((_BH_BLK, _SEQ_BLK, d), lambda i: (i, 0, 0))],
        out_specs=pl.BlockSpec((_BH_BLK, _SEQ_BLK, d), lambda i: (i, 0, 0)),
        out_shape=jax.ShapeDtypeStruct((bh, s, d), cache.dtype),
    )(cache3)

    info = plsc.get_sparse_core_info()
    nw = info.num_cores * info.num_subcores
    panes_per_w = bh // nw

    out_ref = jax.new_ref(cloned.reshape(bh * s, d))
    mesh = plsc.VectorSubcoreMesh(core_axis_name="c", subcore_axis_name="s")
    body = functools.partial(
        _sc_scatter_body, panes_per_w, info.num_cores, s
    )
    pl.kernel(
        body,
        out_type=(),
        mesh=mesh,
        scratch_types=[
            pltpu.VMEM((1, upd_len, d), jnp.float32),
            pltpu.VMEM((16,), jnp.int32),
            pltpu.SemaphoreType.DMA,
        ],
    )(update2, pos_arr, out_ref)
    return out_ref[...].reshape(b, h, s, d)

# --- scband reference (transcript-rebuilt; emitter-appended) ---
"""Pipeline reference for scband-static-kvcache-66236985639153 (READ-ONLY COPY).

The authoritative reference and input builder live on the scoring server;
editing this copy changes nothing except your own understanding.
"""

import jax, jax.numpy as jnp
import numpy as np


def setup_inputs(seed: int = 0) -> dict:
    key = jax.random.key(seed)
    k1, k2 = jax.random.split(key)
    cache = jax.random.normal(k1, (8, 16, 4096, 128), dtype=jnp.float32)
    update = jax.random.normal(k2, (8, 16, 16, 128), dtype=jnp.float32)
    pos = 2048  # scalar python int: write position within the static KV cache
    return {"cache": cache, "update": update, "pos": pos}


def reference(cache, update, pos):
    # StaticKVCache.apply_update with style='smart_mask', transpose=False,
    # update_pos=0, update_len=None (i.e. full update length).
    # updated = clone(cache); updated[..., pos:pos+L, :] = update[..., 0:L, :]
    update_len = update.shape[-2]
    start = jnp.asarray(pos, dtype=jnp.int32)
    zero = jnp.zeros((), dtype=jnp.int32)
    updated = jax.lax.dynamic_update_slice(
        cache, update[..., 0:update_len, :], (zero, zero, start, zero)
    )
    return updated

if __name__ == "__main__":
    import jax
    _d = setup_inputs()
    print(jax.jit(kernel)(*tuple(_d.values())))

</pallas_src>

<mosaic_0001>
#map = affine_map<(d0, d1) -> (0, 0)>
#map1 = affine_map<(d0, d1) -> (0)>
module attributes {stable_mosaic.version = 14 : i64} {
  func.func @new_body(%arg0: i32, %arg1: i32, %arg2: memref<2048x128xf32, #tpu.memory_space<hbm>>, %arg3: memref<16xi32, #tpu.memory_space<hbm>>, %arg4: memref<524288x128xf32, #tpu.memory_space<hbm>>, %arg5: memref<524288x128xf32, #tpu.memory_space<hbm>>, %arg6: memref<1x16x128xf32, #tpu.memory_space<vmem>>, %arg7: memref<16xi32, #tpu.memory_space<vmem>>, %arg8: memref<!tpu.dma_semaphore, #tpu.memory_space<semaphore_mem>>) attributes {dimension_semantics = [#tpu.dimension_semantics<core_parallel>, #tpu.dimension_semantics<subcore_parallel>], iteration_bounds = array<i64: 2, 16>, scalar_prefetch = 0 : i64, scratch_operands = 3 : i64, tpu.core_type = #tpu.core_type<sc_vector_subcore>, window_params = [{transform_indices = #map}, {transform_indices = #map1}, {transform_indices = #map}, {transform_indices = #map}]} {
    %mul3A = arith.constant 2 : i32
    %mul3A_0 = arith.muli %arg1, %mul3A : i32
    %add3A = arith.addi %mul3A_0, %arg0 : i32
    "tpu.region"() ({
      %run_scoped3A = tpu.sem_alloc : memref<!tpu.dma_semaphore, #tpu.memory_space<semaphore_mem>>
      tpu.enqueue_dma source(%arg3 : memref<16xi32, #tpu.memory_space<hbm>>) target(%arg7 : memref<16xi32, #tpu.memory_space<vmem>>) target_semaphore(%run_scoped3A : memref<!tpu.dma_semaphore, #tpu.memory_space<semaphore_mem>>)
      tpu.wait_dma2 semaphore(%run_scoped3A : memref<!tpu.dma_semaphore, #tpu.memory_space<semaphore_mem>>) src(%arg3 : memref<16xi32, #tpu.memory_space<hbm>>) dst(%arg7 : memref<16xi32, #tpu.memory_space<vmem>>)
      tpu.yield
    }) : () -> ()
    %get3A = arith.constant 0 : index
    %get3A_1 = tpu.vector_load %arg7[%get3A] {strides = array<i32>} : memref<16xi32, #tpu.memory_space<vmem>>, vector<16xi32>,
    %get3A_2 = vector.shape_cast %get3A_1 : vector<16xi32> to vector<16xi32>
    %slice3A = vector.extract_strided_slice %get3A_2 {offsets = [0], sizes = [1], strides = [1]} : vector<16xi32> to vector<1xi32>
    %squeeze3A = vector.extract %slice3A[0] : i32 from vector<1xi32>
    %multiple_of3A = tpu.assume_multiple %squeeze3A, 8 : i32
    %mul3A_3 = arith.constant 4 : i32
    %mul3A_4 = arith.muli %add3A, %mul3A_3 : i32
    %add3A_5 = arith.constant 0 : i32
    %add3A_6 = arith.addi %mul3A_4, %add3A_5 : i32
    %mul3A_7 = arith.constant 16 : i32
    %mul3A_8 = arith.muli %add3A_6, %mul3A_7 : i32
    %dma_start3A = arith.constant 0 : i32
    %dma_start3A_9 = arith.constant 0 : i32
    %dma_start3A_10 = arith.constant 0 : i32
    %dma_start3A_11 = tpu.memref_slice %arg6[%dma_start3A, %dma_start3A_9, %dma_start3A_10] : memref<1x16x128xf32, #tpu.memory_space<vmem>> -> memref<1x16x128xf32, #tpu.memory_space<vmem>>
    %dma_start3A_12 = tpu.memref_squeeze %dma_start3A_11 : memref<1x16x128xf32, #tpu.memory_space<vmem>> -> memref<16x128xf32, #tpu.memory_space<vmem>>
    %dma_start3A_13 = arith.constant 0 : i32
    %dma_start3A_14 = tpu.memref_slice %arg2[%mul3A_8, %dma_start3A_13] : memref<2048x128xf32, #tpu.memory_space<hbm>> -> memref<16x128xf32, #tpu.memory_space<hbm>>
    %dma_start3A_15 = arith.constant 0 : i32
    %dma_start3A_16 = arith.constant 0 : i32
    %dma_start3A_17 = tpu.memref_slice %arg6[%dma_start3A, %dma_start3A_15, %dma_start3A_16] : memref<1x16x128xf32, #tpu.memory_space<vmem>> -> memref<1x16x128xf32, #tpu.memory_space<vmem>>
    %dma_start3A_18 = tpu.memref_squeeze %dma_start3A_17 : memref<1x16x128xf32, #tpu.memory_space<vmem>> -> memref<16x128xf32, #tpu.memory_space<vmem>>
    %dma_start3A_19 = arith.constant 0 : i32
    %dma_start3A_20 = tpu.memref_slice %arg2[%mul3A_8, %dma_start3A_19] : memref<2048x128xf32, #tpu.memory_space<hbm>> -> memref<16x128xf32, #tpu.memory_space<hbm>>
    tpu.enqueue_dma source(%dma_start3A_20 : memref<16x128xf32, #tpu.memory_space<hbm>>) target(%dma_start3A_18 : memref<16x128xf32, #tpu.memory_space<vmem>>) target_semaphore(%arg8 : memref<!tpu.dma_semaphore, #tpu.memory_space<semaphore_mem>>)
    %dma_wait3A = arith.constant 0 : i32
    %dma_wait3A_21 = arith.constant 0 : i32
    %dma_wait3A_22 = arith.constant 0 : i32
    %dma_wait3A_23 = tpu.memref_slice %arg6[%dma_wait3A, %dma_wait3A_21, %dma_wait3A_22] : memref<1x16x128xf32, #tpu.memory_space<vmem>> -> memref<1x16x128xf32, #tpu.memory_space<vmem>>
    %dma_wait3A_24 = tpu.memref_squeeze %dma_wait3A_23 : memref<1x16x128xf32, #tpu.memory_space<vmem>> -> memref<16x128xf32, #tpu.memory_space<vmem>>
    %dma_wait3A_25 = arith.constant 0 : i32
    %dma_wait3A_26 = tpu.memref_slice %arg2[%mul3A_8, %dma_wait3A_25] : memref<2048x128xf32, #tpu.memory_space<hbm>> -> memref<16x128xf32, #tpu.memory_space<hbm>>
    %dma_wait3A_27 = arith.constant 0 : i32
    %dma_wait3A_28 = arith.constant 0 : i32
    %dma_wait3A_29 = tpu.memref_slice %arg6[%dma_wait3A, %dma_wait3A_27, %dma_wait3A_28] : memref<1x16x128xf32, #tpu.memory_space<vmem>> -> memref<1x16x128xf32, #tpu.memory_space<vmem>>
    %dma_wait3A_30 = tpu.memref_squeeze %dma_wait3A_29 : memref<1x16x128xf32, #tpu.memory_space<vmem>> -> memref<16x128xf32, #tpu.memory_space<vmem>>
    %dma_wait3A_31 = arith.constant 0 : i32
    %dma_wait3A_32 = tpu.memref_slice %arg2[%mul3A_8, %dma_wait3A_31] : memref<2048x128xf32, #tpu.memory_space<hbm>> -> memref<16x128xf32, #tpu.memory_space<hbm>>
    tpu.wait_dma2 semaphore(%arg8 : memref<!tpu.dma_semaphore, #tpu.memory_space<semaphore_mem>>) src(%dma_wait3A_32 : memref<16x128xf32, #tpu.memory_space<hbm>>) dst(%dma_wait3A_30 : memref<16x128xf32, #tpu.memory_space<vmem>>)
    %mul3A_33 = arith.constant 4096 : i32
    %mul3A_34 = arith.muli %add3A_6, %mul3A_33 : i32
    %add3A_35 = arith.addi %mul3A_34, %multiple_of3A : i32
    %dma_start3A_36 = arith.constant 0 : i32
    %dma_start3A_37 = arith.constant 0 : i32
    %dma_start3A_38 = arith.constant 0 : i32
    %dma_start3A_39 = tpu.memref_slice %arg6[%dma_start3A_36, %dma_start3A_37, %dma_start3A_38] : memref<1x16x128xf32, #tpu.memory_space<vmem>> -> memref<1x16x128xf32, #tpu.memory_space<vmem>>
    %dma_start3A_40 = tpu.memref_squeeze %dma_start3A_39 : memref<1x16x128xf32, #tpu.memory_space<vmem>> -> memref<16x128xf32, #tpu.memory_space<vmem>>
    %dma_start3A_41 = arith.constant 0 : i32
    %dma_start3A_42 = tpu.memref_slice %arg4[%add3A_35, %dma_start3A_41] : memref<524288x128xf32, #tpu.memory_space<hbm>> -> memref<16x128xf32, #tpu.memory_space<hbm>>
    %dma_start3A_43 = arith.constant 0 : i32
    %dma_start3A_44 = tpu.memref_slice %arg4[%add3A_35, %dma_start3A_43] : memref<524288x128xf32, #tpu.memory_space<hbm>> -> memref<16x128xf32, #tpu.memory_space<hbm>>
    %dma_start3A_45 = arith.constant 0 : i32
    %dma_start3A_46 = arith.constant 0 : i32
    %dma_start3A_47 = tpu.memref_slice %arg6[%dma_start3A_36, %dma_start3A_45, %dma_start3A_46] : memref<1x16x128xf32, #tpu.memory_space<vmem>> -> memref<1x16x128xf32, #tpu.memory_space<vmem>>
    %dma_start3A_48 = tpu.memref_squeeze %dma_start3A_47 : memref<1x16x128xf32, #tpu.memory_space<vmem>> -> memref<16x128xf32, #tpu.memory_space<vmem>>
    tpu.enqueue_dma source(%dma_start3A_48 : memref<16x128xf32, #tpu.memory_space<vmem>>) target(%dma_start3A_44 : memref<16x128xf32, #tpu.memory_space<hbm>>) target_semaphore(%arg8 : memref<!tpu.dma_semaphore, #tpu.memory_space<semaphore_mem>>)
    %dma_wait3A_49 = arith.constant 0 : i32
    %dma_wait3A_50 = arith.constant 0 : i32
    %dma_wait3A_51 = arith.constant 0 : i32
    %dma_wait3A_52 = tpu.memref_slice %arg6[%dma_wait3A_49, %dma_wait3A_50, %dma_wait3A_51] : memref<1x16x128xf32, #tpu.memory_space<vmem>> -> memref<1x16x128xf32, #tpu.memory_space<vmem>>
    %dma_wait3A_53 = tpu.memref_squeeze %dma_wait3A_52 : memref<1x16x128xf32, #tpu.memory_space<vmem>> -> memref<16x128xf32, #tpu.memory_space<vmem>>
    %dma_wait3A_54 = arith.constant 0 : i32
    %dma_wait3A_55 = tpu.memref_slice %arg4[%add3A_35, %dma_wait3A_54] : memref<524288x128xf32, #tpu.memory_space<hbm>> -> memref<16x128xf32, #tpu.memory_space<hbm>>
    %dma_wait3A_56 = arith.constant 0 : i32
    %dma_wait3A_57 = tpu.memref_slice %arg4[%add3A_35, %dma_wait3A_56] : memref<524288x128xf32, #tpu.memory_space<hbm>> -> memref<16x128xf32, #tpu.memory_space<hbm>>
    %dma_wait3A_58 = arith.constant 0 : i32
    %dma_wait3A_59 = arith.constant 0 : i32
    %dma_wait3A_60 = tpu.memref_slice %arg6[%dma_wait3A_49, %dma_wait3A_58, %dma_wait3A_59] : memref<1x16x128xf32, #tpu.memory_space<vmem>> -> memref<1x16x128xf32, #tpu.memory_space<vmem>>
    %dma_wait3A_61 = tpu.memref_squeeze %dma_wait3A_60 : memref<1x16x128xf32, #tpu.memory_space<vmem>> -> memref<16x128xf32, #tpu.memory_space<vmem>>
    tpu.wait_dma2 semaphore(%arg8 : memref<!tpu.dma_semaphore, #tpu.memory_space<semaphore_mem>>) src(%dma_wait3A_61 : memref<16x128xf32, #tpu.memory_space<vmem>>) dst(%dma_wait3A_57 : memref<16x128xf32, #tpu.memory_space<hbm>>)
    %mul3A_62 = arith.constant 4 : i32
    %mul3A_63 = arith.muli %add3A, %mul3A_62 : i32
    %add3A_64 = arith.constant 1 : i32
    %add3A_65 = arith.addi %mul3A_63, %add3A_64 : i32
    %mul3A_66 = arith.constant 16 : i32
    %mul3A_67 = arith.muli %add3A_65, %mul3A_66 : i32
    %dma_start3A_68 = arith.constant 0 : i32
    %dma_start3A_69 = arith.constant 0 : i32
    %dma_start3A_70 = arith.constant 0 : i32
    %dma_start3A_71 = tpu.memref_slice %arg6[%dma_start3A_68, %dma_start3A_69, %dma_start3A_70] : memref<1x16x128xf32, #tpu.memory_space<vmem>> -> memref<1x16x128xf32, #tpu.memory_space<vmem>>
    %dma_start3A_72 = tpu.memref_squeeze %dma_start3A_71 : memref<1x16x128xf32, #tpu.memory_space<vmem>> -> memref<16x128xf32, #tpu.memory_space<vmem>>
    %dma_start3A_73 = arith.constant 0 : i32
    %dma_start3A_74 = tpu.memref_slice %arg2[%mul3A_67, %dma_start3A_73] : memref<2048x128xf32, #tpu.memory_space<hbm>> -> memref<16x128xf32, #tpu.memory_space<hbm>>
    %dma_start3A_75 = arith.constant 0 : i32
    %dma_start3A_76 = arith.constant 0 : i32
    %dma_start3A_77 = tpu.memref_slice %arg6[%dma_start3A_68, %dma_start3A_75, %dma_start3A_76] : memref<1x16x128xf32, #tpu.memory_space<vmem>> -> memref<1x16x128xf32, #tpu.memory_space<vmem>>
    %dma_start3A_78 = tpu.memref_squeeze %dma_start3A_77 : memref<1x16x128xf32, #tpu.memory_space<vmem>> -> memref<16x128xf32, #tpu.memory_space<vmem>>
    %dma_start3A_79 = arith.constant 0 : i32
    %dma_start3A_80 = tpu.memref_slice %arg2[%mul3A_67, %dma_start3A_79] : memref<2048x128xf32, #tpu.memory_space<hbm>> -> memref<16x128xf32, #tpu.memory_space<hbm>>
    tpu.enqueue_dma source(%dma_start3A_80 : memref<16x128xf32, #tpu.memory_space<hbm>>) target(%dma_start3A_78 : memref<16x128xf32, #tpu.memory_space<vmem>>) target_semaphore(%arg8 : memref<!tpu.dma_semaphore, #tpu.memory_space<semaphore_mem>>)
    %dma_wait3A_81 = arith.constant 0 : i32
    %dma_wait3A_82 = arith.constant 0 : i32
    %dma_wait3A_83 = arith.constant 0 : i32
    %dma_wait3A_84 = tpu.memref_slice %arg6[%dma_wait3A_81, %dma_wait3A_82, %dma_wait3A_83] : memref<1x16x128xf32, #tpu.memory_space<vmem>> -> memref<1x16x128xf32, #tpu.memory_space<vmem>>
    %dma_wait3A_85 = tpu.memref_squeeze %dma_wait3A_84 : memref<1x16x128xf32, #tpu.memory_space<vmem>> -> memref<16x128xf32, #tpu.memory_space<vmem>>
    %dma_wait3A_86 = arith.constant 0 : i32
    %dma_wait3A_87 = tpu.memref_slice %arg2[%mul3A_67, %dma_wait3A_86] : memref<2048x128xf32, #tpu.memory_space<hbm>> -> memref<16x128xf32, #tpu.memory_space<hbm>>
    %dma_wait3A_88 = arith.constant 0 : i32
    %dma_wait3A_89 = arith.constant 0 : i32
    %dma_wait3A_90 = tpu.memref_slice %arg6[%dma_wait3A_81, %dma_wait3A_88, %dma_wait3A_89] : memref<1x16x128xf32, #tpu.memory_space<vmem>> -> memref<1x16x128xf32, #tpu.memory_space<vmem>>
    %dma_wait3A_91 = tpu.memref_squeeze %dma_wait3A_90 : memref<1x16x128xf32, #tpu.memory_space<vmem>> -> memref<16x128xf32, #tpu.memory_space<vmem>>
    %dma_wait3A_92 = arith.constant 0 : i32
    %dma_wait3A_93 = tpu.memref_slice %arg2[%mul3A_67, %dma_wait3A_92] : memref<2048x128xf32, #tpu.memory_space<hbm>> -> memref<16x128xf32, #tpu.memory_space<hbm>>
    tpu.wait_dma2 semaphore(%arg8 : memref<!tpu.dma_semaphore, #tpu.memory_space<semaphore_mem>>) src(%dma_wait3A_93 : memref<16x128xf32, #tpu.memory_space<hbm>>) dst(%dma_wait3A_91 : memref<16x128xf32, #tpu.memory_space<vmem>>)
    %mul3A_94 = arith.constant 4096 : i32
    %mul3A_95 = arith.muli %add3A_65, %mul3A_94 : i32
    %add3A_96 = arith.addi %mul3A_95, %multiple_of3A : i32
    %dma_start3A_97 = arith.constant 0 : i32
    %dma_start3A_98 = arith.constant 0 : i32
    %dma_start3A_99 = arith.constant 0 : i32
    %dma_start3A_100 = tpu.memref_slice %arg6[%dma_start3A_97, %dma_start3A_98, %dma_start3A_99] : memref<1x16x128xf32, #tpu.memory_space<vmem>> -> memref<1x16x128xf32, #tpu.memory_space<vmem>>
    %dma_start3A_101 = tpu.memref_squeeze %dma_start3A_100 : memref<1x16x128xf32, #tpu.memory_space<vmem>> -> memref<16x128xf32, #tpu.memory_space<vmem>>
    %dma_start3A_102 = arith.constant 0 : i32
    %dma_start3A_103 = tpu.memref_slice %arg4[%add3A_96, %dma_start3A_102] : memref<524288x128xf32, #tpu.memory_space<hbm>> -> memref<16x128xf32, #tpu.memory_space<hbm>>
    %dma_start3A_104 = arith.constant 0 : i32
    %dma_start3A_105 = tpu.memref_slice %arg4[%add3A_96, %dma_start3A_104] : memref<524288x128xf32, #tpu.memory_space<hbm>> -> memref<16x128xf32, #tpu.memory_space<hbm>>
    %dma_start3A_106 = arith.constant 0 : i32
    %dma_start3A_107 = arith.constant 0 : i32
    %dma_start3A_108 = tpu.memref_slice %arg6[%dma_start3A_97, %dma_start3A_106, %dma_start3A_107] : memref<1x16x128xf32, #tpu.memory_space<vmem>> -> memref<1x16x128xf32, #tpu.memory_space<vmem>>
    %dma_start3A_109 = tpu.memref_squeeze %dma_start3A_108 : memref<1x16x128xf32, #tpu.memory_space<vmem>> -> memref<16x128xf32, #tpu.memory_space<vmem>>
    tpu.enqueue_dma source(%dma_start3A_109 : memref<16x128xf32, #tpu.memory_space<vmem>>) target(%dma_start3A_105 : memref<16x128xf32, #tpu.memory_space<hbm>>) target_semaphore(%arg8 : memref<!tpu.dma_semaphore, #tpu.memory_space<semaphore_mem>>)
    %dma_wait3A_110 = arith.constant 0 : i32
    %dma_wait3A_111 = arith.constant 0 : i32
    %dma_wait3A_112 = arith.constant 0 : i32
    %dma_wait3A_113 = tpu.memref_slice %arg6[%dma_wait3A_110, %dma_wait3A_111, %dma_wait3A_112] : memref<1x16x128xf32, #tpu.memory_space<vmem>> -> memref<1x16x128xf32, #tpu.memory_space<vmem>>
    %dma_wait3A_114 = tpu.memref_squeeze %dma_wait3A_113 : memref<1x16x128xf32, #tpu.memory_space<vmem>> -> memref<16x128xf32, #tpu.memory_space<vmem>>
    %dma_wait3A_115 = arith.constant 0 : i32
    %dma_wait3A_116 = tpu.memref_slice %arg4[%add3A_96, %dma_wait3A_115] : memref<524288x128xf32, #tpu.memory_space<hbm>> -> memref<16x128xf32, #tpu.memory_space<hbm>>
    %dma_wait3A_117 = arith.constant 0 : i32
    %dma_wait3A_118 = tpu.memref_slice %arg4[%add3A_96, %dma_wait3A_117] : memref<524288x128xf32, #tpu.memory_space<hbm>> -> memref<16x128xf32, #tpu.memory_space<hbm>>
    %dma_wait3A_119 = arith.constant 0 : i32
    %dma_wait3A_120 = arith.constant 0 : i32
    %dma_wait3A_121 = tpu.memref_slice %arg6[%dma_wait3A_110, %dma_wait3A_119, %dma_wait3A_120] : memref<1x16x128xf32, #tpu.memory_space<vmem>> -> memref<1x16x128xf32, #tpu.memory_space<vmem>>
    %dma_wait3A_122 = tpu.memref_squeeze %dma_wait3A_121 : memref<1x16x128xf32, #tpu.memory_space<vmem>> -> memref<16x128xf32, #tpu.memory_space<vmem>>
    tpu.wait_dma2 semaphore(%arg8 : memref<!tpu.dma_semaphore, #tpu.memory_space<semaphore_mem>>) src(%dma_wait3A_122 : memref<16x128xf32, #tpu.memory_space<vmem>>) dst(%dma_wait3A_118 : memref<16x128xf32, #tpu.memory_space<hbm>>)
    %mul3A_123 = arith.constant 4 : i32
    %mul3A_124 = arith.muli %add3A, %mul3A_123 : i32
    %add3A_125 = arith.constant 2 : i32
    %add3A_126 = arith.addi %mul3A_124, %add3A_125 : i32
    %mul3A_127 = arith.constant 16 : i32
    %mul3A_128 = arith.muli %add3A_126, %mul3A_127 : i32
    %dma_start3A_129 = arith.constant 0 : i32
    %dma_start3A_130 = arith.constant 0 : i32
    %dma_start3A_131 = arith.constant 0 : i32
    %dma_start3A_132 = tpu.memref_slice %arg6[%dma_start3A_129, %dma_start3A_130, %dma_start3A_131] : memref<1x16x128xf32, #tpu.memory_space<vmem>> -> memref<1x16x128xf32, #tpu.memory_space<vmem>>
    %dma_start3A_133 = tpu.memref_squeeze %dma_start3A_132 : memref<1x16x128xf32, #tpu.memory_space<vmem>> -> memref<16x128xf32, #tpu.memory_space<vmem>>
    %dma_start3A_134 = arith.constant 0 : i32
    %dma_start3A_135 = tpu.memref_slice %arg2[%mul3A_128, %dma_start3A_134] : memref<2048x128xf32, #tpu.memory_space<hbm>> -> memref<16x128xf32, #tpu.memory_space<hbm>>
    %dma_start3A_136 = arith.constant 0 : i32
    %dma_start3A_137 = arith.constant 0 : i32
    %dma_start3A_138 = tpu.memref_slice %arg6[%dma_start3A_129, %dma_start3A_136, %dma_start3A_137] : memref<1x16x128xf32, #tpu.memory_space<vmem>> -> memref<1x16x128xf32, #tpu.memory_space<vmem>>
    %dma_start3A_139 = tpu.memref_squeeze %dma_start3A_138 : memref<1x16x128xf32, #tpu.memory_space<vmem>> -> memref<16x128xf32, #tpu.memory_space<vmem>>
    %dma_start3A_140 = arith.constant 0 : i32
    %dma_start3A_141 = tpu.memref_slice %arg2[%mul3A_128, %dma_start3A_140] : memref<2048x128xf32, #tpu.memory_space<hbm>> -> memref<16x128xf32, #tpu.memory_space<hbm>>
    tpu.enqueue_dma source(%dma_start3A_141 : memref<16x128xf32, #tpu.memory_space<hbm>>) target(%dma_start3A_139 : memref<16x128xf32, #tpu.memory_space<vmem>>) target_semaphore(%arg8 : memref<!tpu.dma_semaphore, #tpu.memory_space<semaphore_mem>>)
    %dma_wait3A_142 = arith.constant 0 : i32
    %dma_wait3A_143 = arith.constant 0 : i32
    %dma_wait3A_144 = arith.constant 0 : i32
    %dma_wait3A_145 = tpu.memref_slice %arg6[%dma_wait3A_142, %dma_wait3A_143, %dma_wait3A_144] : memref<1x16x128xf32, #tpu.memory_space<vmem>> -> memref<1x16x128xf32, #tpu.memory_space<vmem>>
    %dma_wait3A_146 = tpu.memref_squeeze %dma_wait3A_145 : memref<1x16x128xf32, #tpu.memory_space<vmem>> -> memref<16x128xf32, #tpu.memory_space<vmem>>
    %dma_wait3A_147 = arith.constant 0 : i32
    %dma_wait3A_148 = tpu.memref_slice %arg2[%mul3A_128, %dma_wait3A_147] : memref<2048x128xf32, #tpu.memory_space<hbm>> -> memref<16x128xf32, #tpu.memory_space<hbm>>
    %dma_wait3A_149 = arith.constant 0 : i32
    %dma_wait3A_150 = arith.constant 0 : i32
    %dma_wait3A_151 = tpu.memref_slice %arg6[%dma_wait3A_142, %dma_wait3A_149, %dma_wait3A_150] : memref<1x16x128xf32, #tpu.memory_space<vmem>> -> memref<1x16x128xf32, #tpu.memory_space<vmem>>
    %dma_wait3A_152 = tpu.memref_squeeze %dma_wait3A_151 : memref<1x16x128xf32, #tpu.memory_space<vmem>> -> memref<16x128xf32, #tpu.memory_space<vmem>>
    %dma_wait3A_153 = arith.constant 0 : i32
    %dma_wait3A_154 = tpu.memref_slice %arg2[%mul3A_128, %dma_wait3A_153] : memref<2048x128xf32, #tpu.memory_space<hbm>> -> memref<16x128xf32, #tpu.memory_space<hbm>>
    tpu.wait_dma2 semaphore(%arg8 : memref<!tpu.dma_semaphore, #tpu.memory_space<semaphore_mem>>) src(%dma_wait3A_154 : memref<16x128xf32, #tpu.memory_space<hbm>>) dst(%dma_wait3A_152 : memref<16x128xf32, #tpu.memory_space<vmem>>)
    %mul3A_155 = arith.constant 4096 : i32
    %mul3A_156 = arith.muli %add3A_126, %mul3A_155 : i32
    %add3A_157 = arith.addi %mul3A_156, %multiple_of3A : i32
    %dma_start3A_158 = arith.constant 0 : i32
    %dma_start3A_159 = arith.constant 0 : i32
    %dma_start3A_160 = arith.constant 0 : i32
    %dma_start3A_161 = tpu.memref_slice %arg6[%dma_start3A_158, %dma_start3A_159, %dma_start3A_160] : memref<1x16x128xf32, #tpu.memory_space<vmem>> -> memref<1x16x128xf32, #tpu.memory_space<vmem>>
    %dma_start3A_162 = tpu.memref_squeeze %dma_start3A_161 : memref<1x16x128xf32, #tpu.memory_space<vmem>> -> memref<16x128xf32, #tpu.memory_space<vmem>>
    %dma_start3A_163 = arith.constant 0 : i32
    %dma_start3A_164 = tpu.memref_slice %arg4[%add3A_157, %dma_start3A_163] : memref<524288x128xf32, #tpu.memory_space<hbm>> -> memref<16x128xf32, #tpu.memory_space<hbm>>
    %dma_start3A_165 = arith.constant 0 : i32
    %dma_start3A_166 = tpu.memref_slice %arg4[%add3A_157, %dma_start3A_165] : memref<524288x128xf32, #tpu.memory_space<hbm>> -> memref<16x128xf32, #tpu.memory_space<hbm>>
    %dma_start3A_167 = arith.constant 0 : i32
    %dma_start3A_168 = arith.constant 0 : i32
    %dma_start3A_169 = tpu.memref_slice %arg6[%dma_start3A_158, %dma_start3A_167, %dma_start3A_168] : memref<1x16x128xf32, #tpu.memory_space<vmem>> -> memref<1x16x128xf32, #tpu.memory_space<vmem>>
    %dma_start3A_170 = tpu.memref_squeeze %dma_start3A_169 : memref<1x16x128xf32, #tpu.memory_space<vmem>> -> memref<16x128xf32, #tpu.memory_space<vmem>>
    tpu.enqueue_dma source(%dma_start3A_170 : memref<16x128xf32, #tpu.memory_space<vmem>>) target(%dma_start3A_166 : memref<16x128xf32, #tpu.memory_space<hbm>>) target_semaphore(%arg8 : memref<!tpu.dma_semaphore, #tpu.memory_space<semaphore_mem>>)
    %dma_wait3A_171 = arith.constant 0 : i32
    %dma_wait3A_172 = arith.constant 0 : i32
    %dma_wait3A_173 = arith.constant 0 : i32
    %dma_wait3A_174 = tpu.memref_slice %arg6[%dma_wait3A_171, %dma_wait3A_172, %dma_wait3A_173] : memref<1x16x128xf32, #tpu.memory_space<vmem>> -> memref<1x16x128xf32, #tpu.memory_space<vmem>>
    %dma_wait3A_175 = tpu.memref_squeeze %dma_wait3A_174 : memref<1x16x128xf32, #tpu.memory_space<vmem>> -> memref<16x128xf32, #tpu.memory_space<vmem>>
    %dma_wait3A_176 = arith.constant 0 : i32
    %dma_wait3A_177 = tpu.memref_slice %arg4[%add3A_157, %dma_wait3A_176] : memref<524288x128xf32, #tpu.memory_space<hbm>> -> memref<16x128xf32, #tpu.memory_space<hbm>>
    %dma_wait3A_178 = arith.constant 0 : i32
    %dma_wait3A_179 = tpu.memref_slice %arg4[%add3A_157, %dma_wait3A_178] : memref<524288x128xf32, #tpu.memory_space<hbm>> -> memref<16x128xf32, #tpu.memory_space<hbm>>
    %dma_wait3A_180 = arith.constant 0 : i32
    %dma_wait3A_181 = arith.constant 0 : i32
    %dma_wait3A_182 = tpu.memref_slice %arg6[%dma_wait3A_171, %dma_wait3A_180, %dma_wait3A_181] : memref<1x16x128xf32, #tpu.memory_space<vmem>> -> memref<1x16x128xf32, #tpu.memory_space<vmem>>
    %dma_wait3A_183 = tpu.memref_squeeze %dma_wait3A_182 : memref<1x16x128xf32, #tpu.memory_space<vmem>> -> memref<16x128xf32, #tpu.memory_space<vmem>>
    tpu.wait_dma2 semaphore(%arg8 : memref<!tpu.dma_semaphore, #tpu.memory_space<semaphore_mem>>) src(%dma_wait3A_183 : memref<16x128xf32, #tpu.memory_space<vmem>>) dst(%dma_wait3A_179 : memref<16x128xf32, #tpu.memory_space<hbm>>)
    %mul3A_184 = arith.constant 4 : i32
    %mul3A_185 = arith.muli %add3A, %mul3A_184 : i32
    %add3A_186 = arith.constant 3 : i32
    %add3A_187 = arith.addi %mul3A_185, %add3A_186 : i32
    %mul3A_188 = arith.constant 16 : i32
    %mul3A_189 = arith.muli %add3A_187, %mul3A_188 : i32
    %dma_start3A_190 = arith.constant 0 : i32
    %dma_start3A_191 = arith.constant 0 : i32
    %dma_start3A_192 = arith.constant 0 : i32
    %dma_start3A_193 = tpu.memref_slice %arg6[%dma_start3A_190, %dma_start3A_191, %dma_start3A_192] : memref<1x16x128xf32, #tpu.memory_space<vmem>> -> memref<1x16x128xf32, #tpu.memory_space<vmem>>
    %dma_start3A_194 = tpu.memref_squeeze %dma_start3A_193 : memref<1x16x128xf32, #tpu.memory_space<vmem>> -> memref<16x128xf32, #tpu.memory_space<vmem>>
    %dma_start3A_195 = arith.constant 0 : i32
    %dma_start3A_196 = tpu.memref_slice %arg2[%mul3A_189, %dma_start3A_195] : memref<2048x128xf32, #tpu.memory_space<hbm>> -> memref<16x128xf32, #tpu.memory_space<hbm>>
    %dma_start3A_197 = arith.constant 0 : i32
    %dma_start3A_198 = arith.constant 0 : i32
    %dma_start3A_199 = tpu.memref_slice %arg6[%dma_start3A_190, %dma_start3A_197, %dma_start3A_198] : memref<1x16x128xf32, #tpu.memory_space<vmem>> -> memref<1x16x128xf32, #tpu.memory_space<vmem>>
    %dma_start3A_200 = tpu.memref_squeeze %dma_start3A_199 : memref<1x16x128xf32, #tpu.memory_space<vmem>> -> memref<16x128xf32, #tpu.memory_space<vmem>>
    %dma_start3A_201 = arith.constant 0 : i32
    %dma_start3A_202 = tpu.memref_slice %arg2[%mul3A_189, %dma_start3A_201] : memref<2048x128xf32, #tpu.memory_space<hbm>> -> memref<16x128xf32, #tpu.memory_space<hbm>>
    tpu.enqueue_dma source(%dma_start3A_202 : memref<16x128xf32, #tpu.memory_space<hbm>>) target(%dma_start3A_200 : memref<16x128xf32, #tpu.memory_space<vmem>>) target_semaphore(%arg8 : memref<!tpu.dma_semaphore, #tpu.memory_space<semaphore_mem>>)
    %dma_wait3A_203 = arith.constant 0 : i32
    %dma_wait3A_204 = arith.constant 0 : i32
    %dma_wait3A_205 = arith.constant 0 : i32
    %dma_wait3A_206 = tpu.memref_slice %arg6[%dma_wait3A_203, %dma_wait3A_204, %dma_wait3A_205] : memref<1x16x128xf32, #tpu.memory_space<vmem>> -> memref<1x16x128xf32, #tpu.memory_space<vmem>>
    %dma_wait3A_207 = tpu.memref_squeeze %dma_wait3A_206 : memref<1x16x128xf32, #tpu.memory_space<vmem>> -> memref<16x128xf32, #tpu.memory_space<vmem>>
    %dma_wait3A_208 = arith.constant 0 : i32
    %dma_wait3A_209 = tpu.memref_slice %arg2[%mul3A_189, %dma_wait3A_208] : memref<2048x128xf32, #tpu.memory_space<hbm>> -> memref<16x128xf32, #tpu.memory_space<hbm>>
    %dma_wait3A_210 = arith.constant 0 : i32
    %dma_wait3A_211 = arith.constant 0 : i32
    %dma_wait3A_212 = tpu.memref_slice %arg6[%dma_wait3A_203, %dma_wait3A_210, %dma_wait3A_211] : memref<1x16x128xf32, #tpu.memory_space<vmem>> -> memref<1x16x128xf32, #tpu.memory_space<vmem>>
    %dma_wait3A_213 = tpu.memref_squeeze %dma_wait3A_212 : memref<1x16x128xf32, #tpu.memory_space<vmem>> -> memref<16x128xf32, #tpu.memory_space<vmem>>
    %dma_wait3A_214 = arith.constant 0 : i32
    %dma_wait3A_215 = tpu.memref_slice %arg2[%mul3A_189, %dma_wait3A_214] : memref<2048x128xf32, #tpu.memory_space<hbm>> -> memref<16x128xf32, #tpu.memory_space<hbm>>
    tpu.wait_dma2 semaphore(%arg8 : memref<!tpu.dma_semaphore, #tpu.memory_space<semaphore_mem>>) src(%dma_wait3A_215 : memref<16x128xf32, #tpu.memory_space<hbm>>) dst(%dma_wait3A_213 : memref<16x128xf32, #tpu.memory_space<vmem>>)
    %mul3A_216 = arith.constant 4096 : i32
    %mul3A_217 = arith.muli %add3A_187, %mul3A_216 : i32
    %add3A_218 = arith.addi %mul3A_217, %multiple_of3A : i32
    %dma_start3A_219 = arith.constant 0 : i32
    %dma_start3A_220 = arith.constant 0 : i32
    %dma_start3A_221 = arith.constant 0 : i32
    %dma_start3A_222 = tpu.memref_slice %arg6[%dma_start3A_219, %dma_start3A_220, %dma_start3A_221] : memref<1x16x128xf32, #tpu.memory_space<vmem>> -> memref<1x16x128xf32, #tpu.memory_space<vmem>>
    %dma_start3A_223 = tpu.memref_squeeze %dma_start3A_222 : memref<1x16x128xf32, #tpu.memory_space<vmem>> -> memref<16x128xf32, #tpu.memory_space<vmem>>
    %dma_start3A_224 = arith.constant 0 : i32
    %dma_start3A_225 = tpu.memref_slice %arg4[%add3A_218, %dma_start3A_224] : memref<524288x128xf32, #tpu.memory_space<hbm>> -> memref<16x128xf32, #tpu.memory_space<hbm>>
    %dma_start3A_226 = arith.constant 0 : i32
    %dma_start3A_227 = tpu.memref_slice %arg4[%add3A_218, %dma_start3A_226] : memref<524288x128xf32, #tpu.memory_space<hbm>> -> memref<16x128xf32, #tpu.memory_space<hbm>>
    %dma_start3A_228 = arith.constant 0 : i32
    %dma_start3A_229 = arith.constant 0 : i32
    %dma_start3A_230 = tpu.memref_slice %arg6[%dma_start3A_219, %dma_start3A_228, %dma_start3A_229] : memref<1x16x128xf32, #tpu.memory_space<vmem>> -> memref<1x16x128xf32, #tpu.memory_space<vmem>>
    %dma_start3A_231 = tpu.memref_squeeze %dma_start3A_230 : memref<1x16x128xf32, #tpu.memory_space<vmem>> -> memref<16x128xf32, #tpu.memory_space<vmem>>
    tpu.enqueue_dma source(%dma_start3A_231 : memref<16x128xf32, #tpu.memory_space<vmem>>) target(%dma_start3A_227 : memref<16x128xf32, #tpu.memory_space<hbm>>) target_semaphore(%arg8 : memref<!tpu.dma_semaphore, #tpu.memory_space<semaphore_mem>>)
    %dma_wait3A_232 = arith.constant 0 : i32
    %dma_wait3A_233 = arith.constant 0 : i32
    %dma_wait3A_234 = arith.constant 0 : i32
    %dma_wait3A_235 = tpu.memref_slice %arg6[%dma_wait3A_232, %dma_wait3A_233, %dma_wait3A_234] : memref<1x16x128xf32, #tpu.memory_space<vmem>> -> memref<1x16x128xf32, #tpu.memory_space<vmem>>
    %dma_wait3A_236 = tpu.memref_squeeze %dma_wait3A_235 : memref<1x16x128xf32, #tpu.memory_space<vmem>> -> memref<16x128xf32, #tpu.memory_space<vmem>>
    %dma_wait3A_237 = arith.constant 0 : i32
    %dma_wait3A_238 = tpu.memref_slice %arg4[%add3A_218, %dma_wait3A_237] : memref<524288x128xf32, #tpu.memory_space<hbm>> -> memref<16x128xf32, #tpu.memory_space<hbm>>
    %dma_wait3A_239 = arith.constant 0 : i32
    %dma_wait3A_240 = tpu.memref_slice %arg4[%add3A_218, %dma_wait3A_239] : memref<524288x128xf32, #tpu.memory_space<hbm>> -> memref<16x128xf32, #tpu.memory_space<hbm>>
    %dma_wait3A_241 = arith.constant 0 : i32
    %dma_wait3A_242 = arith.constant 0 : i32
    %dma_wait3A_243 = tpu.memref_slice %arg6[%dma_wait3A_232, %dma_wait3A_241, %dma_wait3A_242] : memref<1x16x128xf32, #tpu.memory_space<vmem>> -> memref<1x16x128xf32, #tpu.memory_space<vmem>>
    %dma_wait3A_244 = tpu.memref_squeeze %dma_wait3A_243 : memref<1x16x128xf32, #tpu.memory_space<vmem>> -> memref<16x128xf32, #tpu.memory_space<vmem>>
    tpu.wait_dma2 semaphore(%arg8 : memref<!tpu.dma_semaphore, #tpu.memory_space<semaphore_mem>>) src(%dma_wait3A_244 : memref<16x128xf32, #tpu.memory_space<vmem>>) dst(%dma_wait3A_240 : memref<16x128xf32, #tpu.memory_space<hbm>>)
    return
  }
}

module attributes {stable_mosaic.version = 14 : i64} {
  func.func @_copy_body(%arg0: i32, %arg1: memref<4x4096x128xf32, #tpu.memory_space<vmem>>, %arg2: memref<4x4096x128xf32, #tpu.memory_space<vmem>>) attributes {dimension_semantics = [#tpu.dimension_semantics<arbitrary>], iteration_bounds = array<i64: 32>, scalar_prefetch = 0 : i64, scratch_operands = 0 : i64, tpu.core_type = #tpu.core_type<tc>, window_params = [{transform_indices = @transform_0, window_bounds = array<i64: 4, 4096, 128>}, {transform_indices = @transform_1, window_bounds = array<i64: 4, 4096, 128>}]} {
    %get3A = arith.constant 0 : index
    %get3A_0 = arith.constant 0 : index
    %get3A_1 = arith.constant 0 : index
    %get3A_2 = vector.load %arg1[%get3A, %get3A_0, %get3A_1] : memref<4x4096x128xf32, #tpu.memory_space<vmem>>, vector<4x4096x128xf32>
    %swap3A = arith.constant 0 : index
    %swap3A_3 = arith.constant 0 : index
    %swap3A_4 = arith.constant 0 : index
    %swap3A_5 = vector.load %arg2[%swap3A, %swap3A_3, %swap3A_4] : memref<4x4096x128xf32, #tpu.memory_space<vmem>>, vector<4x4096x128xf32>
    tpu.vector_store %arg2[%swap3A, %swap3A_3, %swap3A_4], %get3A_2 {strides = array<i32>} : memref<4x4096x128xf32, #tpu.memory_space<vmem>>, vector<4x4096x128xf32>,
    return
  }
  func.func @transform_0(%arg0: i32) -> (i32, i32, i32) {
    %c0_i32 = arith.constant 0 : i32
    %c0_i32_0 = arith.constant 0 : i32
    %c0_i32_1 = arith.constant 0 : i32
    return %arg0, %c0_i32, %c0_i32_0 : i32, i32, i32
  }
  func.func @transform_1(%arg0: i32) -> (i32, i32, i32) {
    %c0_i32 = arith.constant 0 : i32
    %c0_i32_0 = arith.constant 0 : i32
    %c0_i32_1 = arith.constant 0 : i32
    return %arg0, %c0_i32, %c0_i32_0 : i32, i32, i32
  }
}

</mosaic_0001>

<sc_bundles>
// kernel: kernel.4.cloned.1.call-start
scs
__scs_entry_jumppad:
0x0: {  	(pc) =	sbr.rel $0x88, $3  }
0x1: {  	(tag) =	ssettag $0x0;
	lr =	simm.s32 $0x1  }
0x2: {  	[smem:$0x3F9E] =	sst lr;
	_ =	strace $0xD0000000  }
0x3: {  	_ = 	snop  }
0x4: {  	_ = 	snop  }
0x5: {  	_ = 	snop  }
0x6: {  	_ = 	snop  }
0x7: {  	_ = 	snop  }
__scs_overlays_trampoline_lowered:
0x8: {  	[smem:$0x3FAD] =	sst s0  }
0x9: {  	[smem:$0x3FAE] =	sst s1  }
0xa: {  	[smem:$0x3FAF] =	sst s2  }
0xb: {  	[smem:$0x3FB0] =	sst s3  }
0xc: {  	[smem:$0x3FB1] =	sst s4  }
0xd: {  	[smem:$0x3FB2] =	sst s5  }
0xe: {  	[smem:$0x3FB3] =	sst s6  }
0xf: {  	[smem:$0x3FB4] =	sst s7  }
0x10: {  	[smem:$0x3FB5] =	sst s8  }
0x11: {  	[smem:$0x3FB6] =	sst s9;
	s0 =	simm.s32 @!p0 $0x0  }
0x12: {  	s1 =	sld [smem:$0x3F9C];
	s0 =	simm.s32 @p0 $0x1  }
0x13: {  	[smem:$0x3FB7] =	sst s0;
	s0 =	simm.s32 @!p1 $0x0  }
0x14: {  	s2 =	sld [smem:$0x3F9B];
	s0 =	simm.s32 @p1 $0x1  }
0x15: {  	[smem:$0x3FB8] =	sst s0;
	s0 =	simm.s32 @!p2 $0x0  }
0x16: {  	s3 =	sld [smem:$0x3FDB];
	s0 =	simm.s32 @p2 $0x1  }
0x17: {  	s4 =	simm.s32 $0x1BF5;
	[smem:$0x3FBA] =	sst s0  }
0x18: {  	s0 =	sld [smem:$0x3F9D];
	_ =	swait.ge [sflag:s4], $0x0  }
0x19: {  	s7 =	sld [smem:$0x3F9E]  }
0x1a: {  	s8 =	sadd.s32 $0xFFFFE003, lr  }
0x1b: {  	s9 =	sadd.s32 $0xFFFFFEF7, lr;
	s5 =	simm.s32 $0xFFFFFFFF;
	p2 =	slt.u32 s8, $0xFFFFF086  }
0x1c: {  	p1 =	slt.u32 s9, $0xF7A;
	s5 =	simm.s32 @!p2 $0x0  }
0x1d: {  	s5 =	simm.s32 @p1 $0x1;
	p0 =	seq.s32 s7, s2  }
0x1e: {  	s7 =	smul.u32 @!p0 $0xF7A, s2;
	p2 =	seq.s32 @!p0 s5, $0x0  }
0x1f: {  	s9 =	smul.u32 $0xF7A, s1;
	s8 =	simm.s32 @!p0 $0x1BF5;
	p2 =	por !p2, p0  }
0x20: {  	[sflag:s8] =	ssyncset.s32 @!p0 $0xFFFFF086;
	s6 =	sadd.s32 @!p0 s3, s7;
	s7 =	simm.s32 @!p0 $0x108  }
0x21: {  	s3 =	sadd.s32 s3, s9;
	s6 =	sadd.s32 @!p0 $0x88, s6;
	s7 =	simm.s32 @p2 $0x1082  }
0x22: {  	[simem:s7], [sflag:s8] =	dma.local @!p0 [hbm:s6], $0xF7A  }
0x23: {  	s9 =	sor.u32 $0xD0000000, s2;
	s6 =	simm.s32 $0x108;
	_ =	swait.ge @!p0 [sflag:s8], $0x0  }
0x24: {  	s3 =	sadd.s32 $0x88, s3;
	s6 =	simm.s32 @!p1 $0x1082;
	[sflag:s4] =	ssyncset.s32 $0xFFFFF086  }
0x25: {  	[simem:s6], [sflag:s4] =	dma.local [hbm:s3], $0xF7A  }
0x26: {  	[smem:$0x3F9E] =	sst s1;
	(tag) =	ssettag s2;
	_ =	strace s9  }
0x27: {  	s1 =	sld [smem:$0x3FAE]  }
0x28: {  	s2 =	sld [smem:$0x3FAF]  }
0x29: {  	s4 =	sld [smem:$0x3FB1]  }
0x2a: {  	p0 =	seq.s32 s5, $0x0;
	s5 =	sld [smem:$0x3FB2]  }
0x2b: {  	s6 =	sld [smem:$0x3FB3]  }
0x2c: {  	s7 =	sld [smem:$0x3FB4]  }
0x2d: {  	s3 =	simm.s32 $0x108;
	s8 =	sld [smem:$0x3FB5]  }
0x2e: {  	s3 =	simm.s32 @!p0 $0x1082;
	s9 =	sld [smem:$0x3FB6]  }
0x2f: {  	lr =	sadd.s32 s0, s3;
	s0 =	sld [smem:$0x3FAD]  }
0x30: {  	s3 =	sld [smem:$0x3FB0]  }
0x31: {  	[smem:$0x3FB9] =	sst s10  }
0x32: {  	s10 =	sld [smem:$0x3FB7];
	_ =	sdelay $0x3  }
0x33: {  	p0 =	seq.s32 s10, $0x1;
	s10 =	sld [smem:$0x3FB9];
	_ =	sdelay $0x3  }
0x34: {  	[smem:$0x3FB9] =	sst s10  }
0x35: {  	s10 =	sld [smem:$0x3FB8];
	_ =	sdelay $0x3  }
0x36: {  	p1 =	seq.s32 s10, $0x1;
	s10 =	sld [smem:$0x3FB9];
	_ =	sdelay $0x3  }
0x37: {  	[smem:$0x3FB9] =	sst s10  }
0x38: {  	s10 =	sld [smem:$0x3FBA]  }
0x39: {  	_ = 	snop;
	(pc) =	sbr.ind lr, $3  }
0x3a: {  	_ = 	snop  }
0x3b: {  	_ = 	snop  }
0x3c: {  	p2 =	seq.s32 s10, $0x1;
	s10 =	sld [smem:$0x3FB9]  }
0x3d: {  	_ =	shalt  }
0x3e: {  	_ =	shalt  }
0x3f: {  	_ =	shalt  }
0x40: {  	_ =	shalt  }
0x41: {  	_ =	shalt  }
0x42: {  	_ =	shalt  }
0x43: {  	_ =	shalt  }
0x44: {  	_ =	shalt  }
0x45: {  	_ =	shalt  }
0x46: {  	_ =	shalt  }
0x47: {  	_ =	shalt  }
0x48: {  	_ =	shalt  }
0x49: {  	_ =	shalt  }
0x4a: {  	_ =	shalt  }
0x4b: {  	_ =	shalt  }
0x4c: {  	_ =	shalt  }
0x4d: {  	_ =	shalt  }
0x4e: {  	_ =	shalt  }
0x4f: {  	_ =	shalt  }
0x50: {  	_ =	shalt  }
0x51: {  	_ =	shalt  }
0x52: {  	_ =	shalt  }
0x53: {  	_ =	shalt  }
0x54: {  	_ =	shalt  }
0x55: {  	_ =	shalt  }
0x56: {  	_ =	shalt  }
0x57: {  	_ =	shalt  }
0x58: {  	_ =	shalt  }
0x59: {  	_ =	shalt  }
0x5a: {  	_ =	shalt  }
0x5b: {  	_ =	shalt  }
0x5c: {  	_ =	shalt  }
0x5d: {  	_ =	shalt  }
0x5e: {  	_ =	shalt  }
0x5f: {  	_ =	shalt  }
0x60: {  	_ =	shalt  }
0x61: {  	_ =	shalt  }
0x62: {  	_ =	shalt  }
0x63: {  	_ =	shalt  }
0x64: {  	_ =	shalt  }
0x65: {  	_ =	shalt  }
0x66: {  	_ =	shalt  }
0x67: {  	_ =	shalt  }
0x68: {  	_ =	shalt  }
0x69: {  	_ =	shalt  }
0x6a: {  	_ =	shalt  }
0x6b: {  	_ =	shalt  }
0x6c: {  	_ =	shalt  }
0x6d: {  	_ =	shalt  }
0x6e: {  	_ =	shalt  }
0x6f: {  	_ =	shalt  }
0x70: {  	_ =	shalt  }
0x71: {  	_ =	shalt  }
0x72: {  	_ =	shalt  }
0x73: {  	_ =	shalt  }
0x74: {  	_ =	shalt  }
0x75: {  	_ =	shalt  }
0x76: {  	_ =	shalt  }
0x77: {  	_ =	shalt  }
0x78: {  	_ =	shalt  }
0x79: {  	_ =	shalt  }
0x7a: {  	_ =	shalt  }
0x7b: {  	_ =	shalt  }
0x7c: {  	_ =	shalt  }
0x7d: {  	_ =	shalt  }
0x7e: {  	_ =	shalt  }
0x7f: {  	_ =	shalt  }
0x80: {  	_ =	shalt  }
0x81: {  	_ =	shalt  }
0x82: {  	_ =	shalt  }
0x83: {  	_ =	shalt  }
0x84: {  	_ =	shalt  }
0x85: {  	_ =	shalt  }
0x86: {  	_ =	shalt  }
0x87: {  	_ =	shalt  }
.Lfunc_end0:
.L_simem_size_0:
called_computation_lowered:
.L_overlay_start_0:
0x88: {  	s2 =	sld [smem:$0x3FD9]  }
0x89: {  	s3 =	sld [smem:$0x3FFE];
	_ =	sdelay $0x1  }
0x8a: {  	s1 =	srdreg.scid  }
0x8b: {  	s0 =	sand.u32 $0x1, s1  }
0x8c: {  	s17 =	sshll.u32 s0, $0xA;
	s2 =	sadd.s32 s3, s2  }
0x8d: {  	s2 =	sadd.s32 s2, s17  }
0x8e: {  	[smem:$0x3FC5] =	sst s2  }
0x8f: {  	_ = 	snop  }
0x90: {  	s2 =	sld [smem:$0x3FC8]  }
0x91: {  	s18 =	sld [smem:$0x3FD0];
	(tm) =	ssettm $0x1  }
0x92: {  	s4 =	sld [smem:$0x3FFB];
	_ =	sdelay $0x3  }
0x93: {  	_ =	strace s4  }
0x94: {  	s4 =	sld [smem:$0x3FFC];
	_ =	sdelay $0x3  }
0x95: {  	_ =	strace s4  }
0x96: {  	s4 =	sld [smem:$0x3FFD];
	_ =	sdelay $0x3  }
0x97: {  	_ =	strace s4  }
0x98: {  	_ =	strace $0x8FFFFFFF  }
0x99: {  	s19 =	sld [smem:$0x3FDB];
	_ =	sdelay $0x1  }
0x9a: {  	s5 =	simm.s32 $_scs_section_size  }
0x9b: {  	s6 =	simm.s32 $_size__tile_overlayer_lowered;
	s7 =	simm.s32 $_tile_overlayer_lowered  }
0x9c: {  	s22 =	simm.s32 $0x1BFF;
	s21 =	sshll.u32 s7, $0x1;
	s4 =	sadd.s32 s5, s19  }
0x9d: {  	s8 =	simm.s32 $0x0;
	s20 =	sshll.u32 s6, $0x1;
	s6 =	sadd.s32 s21, s4  }
0x9e: {  	[timem:s8], [sflag:s22] =	dma.local [hbm:s6], s20  }
0x9f: {  	_ =	swait.ge [sflag:s22], s20  }
0xa0: {  	s5 =	ssub.s32 $0x0, s20;
	[sflag:s22] =	ssyncset.done $0x0  }
0xa1: {  	[sflag:s22] =	ssyncadd.s32 s5;
	_ =	sdelay $0x1  }
0xa2: {  	s23 =	simm.s32 $0x1B8B  }
0xa3: {  	_ =	swait.ge [sflag:s23], $0x1  }
0xa4: {  	[sflag:s23] =	ssyncset.done $0x0  }
0xa5: {  	s25 =	simm.s32 $0x1B8E;
	s24 =	sld [smem:$0x3FFE];
	[sflag:s23] =	ssyncadd.s32 $0xFFFFFFFF  }
0xa6: {  	s26 =	simm.s32 $execute0_lowered;
	[smem:$0x3FD2] =	sst s25  }
0xa7: {  	s6 =	sshll.u32 s26, $0x1;
	_ =	strace $0x80000046;
	[dreg:$0x1] =	wrdreg $0xFFFFFFFF  }
0xa8: {  	s28 =	simm.s32 $_size_execute0_lowered;
	s4 =	sadd.s32 s4, s6;
	[dreg:$0x0] =	wrdreg $0x0  }
0xa9: {  	s6 =	sshll.u32 s28, $0x1;
	[dreg:$0x2] =	wrdreg s4  }
0xaa: {  	[dreg:$0x3] =	wrdreg s6  }
0xab: {  	[dreg:$0x4] =	wrdreg $0xC0  }
0xac: {  	_ =	task [dreg:s8], $0x5FFFF  }
0xad: {  	[dreg:$0x1] =	wrdreg $0xFFFFFFFF  }
0xae: {  	[dreg:$0x0] =	wrdreg $0x60  }
0xaf: {  	[dreg:$0x2] =	wrdreg s2  }
0xb0: {  	[dreg:$0x3] =	wrdreg s24  }
0xb1: {  	[dreg:$0x4] =	wrdreg s18  }
0xb2: {  	[dreg:$0x5] =	wrdreg $0x9  }
0xb3: {  	_ =	task.clear_ibuf [dreg:s8], $0x6FFFF;
	_ =	strace $0x90000046  }
0xb4: {  	s29 =	simm.s32 $0x9;
	_ =	strace $0x80000048  }
0xb5: {  	_ =	swait.ge [sflag:s29], $0x1  }
0xb6: {  	[sflag:s29] =	ssyncadd.s32 $0xFFFFFFFF  }
0xb7: {  	_ =	strace $0x90000048  }
0xb8: {  	_ =	sfence  }
0xb9: {  	s30 =	sld [smem:$0x0];
	_ =	sdelay $0x2  }
0xba: {  	s31 =	sshll.u32 s1, $0xD;
	s1 =	sshrl.u32 s1, $0x2  }
0xbb: {  	s3 =	sand.u32 $0x4000, s31;
	s1 =	sadd.s32 s1, s30  }
0xbc: {  	s0 =	sor.u32 s3, s0;
	s1 =	sshll.u32 s1, $0x11  }
0xbd: {  	s0 =	sor.u32 s1, s0  }
0xbe: {  	s0 =	sadd.s32 $0x8F2B, s0  }
0xbf: {  	[sflag:s0] =	ssyncadd.remote.s32 $0x1  }
0xc0: {  	_ =	sfence.sel $0xFFFF  }
0xc1: {  	[dreg:$0x0] =	wrdreg $0xFFFFFFFF;
	(pc) =	sbr.abs _section_cstart, $3  }
0xc2: {  	[dreg:$0x1] =	wrdreg $0xFFFFFFFF  }
0xc3: {  	_ =	task.clear_ibuf [dreg:s8], $0x2FFFF;
	_ =	strace $0x9FFFFFFF  }
0xc4: {  	(tm) =	ssettm $0x7FFFFFFF  }
0xc5: {  	_ =	shalt  }
tec
execute0_lowered:
.L_overlay_start_1:
0x0: {  	(tag) =	ssettag $0x1  }
0x1: {  	s14 =	rddreg [dreg:$0x0]  }
0x2: {  	s3 =	rddreg [dreg:$0x1]  }
0x3: {  	s1 =	rddreg [dreg:$0x2]  }
0x4: {  	s0 =	rddreg [dreg:$0x3];
	s2 =	simm.s32 $0x0  }
0x5: {  	s5 =	simm.s32 $0x800;
	[smem:$0x7FF] =	sst s2  }
0x6: {  	s6 =	simm.s32 $0x2;
	s3 =	sadd.s32 $0x400, s3;
	_ =	strace $0x80000047  }
0x7: {  	[tilespmem:s5], [sflag:$0x2] =	stream.linear.gather [hbm4b:s3+s2], $0x80, $0x38;
	[tilespmem:$0x880] =	vst v63  }
0x8: {  	_ =	swait.ge [sflag:s6], $0x80  }
0x9: {  	s7 =	srdreg.scid;
	s4 =	stileid.u32;
	[sflag:s6] =	ssyncset.done $0x0  }
0xa: {  	s15 =	sand.u32 $0x1, s7;
	s25 =	sshll.u32 s4, $0x1;
	[sflag:s6] =	ssyncadd.s32 $0xFFFFFF80  }
0xb: {  	s16 =	sor.u32 s15, s25;
	v0 =	vld [tilespmem:$0x800]  }
0xc: {  	s7 =	sshll.u32 s16, $0xA  }
0xd: {  	s8 =	sadd.s32 s14, s7;
	s7 =	simm.s32 $0x1  }
0xe: {  	[tilespmem:s2], [sflag:$0x1] =	stream.linear.gather [hbm4b:s8+s2], $0x800, $0x38;
	[tilespmem:$0x880] =	vst v63  }
0xf: {  	_ =	swait.ge [sflag:s7], $0x800  }
0x10: {  	(v2sf) =	vpush v0, $0x0;
	_ =	sdelay $0xe  }
0x11: {  	s10 =	spop (v2sf)  }
0x12: {  	s9 =	sshll.u32 s16, $0x15;
	s17 =	sshll.u32 s10, $0x7  }
0x13: {  	s10 =	sadd.s32 s9, s17  }
0x14: {  	[sflag:s7] =	ssyncset.done $0x0;
	s10 =	sshrl.u32 s10, $0x3  }
0x15: {  	s12 =	sshll.u32 s16, $0x2;
	[sflag:s7] =	ssyncadd.s32 $0xFFFFF800;
	s10 =	sadd.s32 s1, s10  }
0x16: {  	[hbm4b:s10+s2] =	stream.linear.scatter [tilespmem:s2], [sflag:$0x1], $0x800, $0x38;
	[tilespmem:$0x880] =	vst v63  }
0x17: {  	s11 =	sor.u32 $0x1, s12;
	_ =	swait.ge [sflag:s7], $0x800  }
0x18: {  	s26 =	sshll.u32 s11, $0x8;
	[sflag:s7] =	ssyncset.done $0x0  }
0x19: {  	s11 =	sshll.u32 s11, $0x13;
	s10 =	sadd.s32 s14, s26;
	[sflag:s7] =	ssyncadd.s32 $0xFFFFF800  }
0x1a: {  	[tilespmem:s2], [sflag:$0x1] =	stream.linear.gather [hbm4b:s10+s2], $0x800, $0x38;
	[tilespmem:$0x880] =	vst v63  }
0x1b: {  	s13 =	sadd.s32 s11, s17;
	_ =	swait.ge [sflag:s7], $0x800  }
0x1c: {  	s13 =	sshrl.u32 s13, $0x3;
	[sflag:s7] =	ssyncset.done $0x0  }
0x1d: {  	s13 =	sadd.s32 s1, s13;
	[sflag:s7] =	ssyncadd.s32 $0xFFFFF800  }
0x1e: {  	[hbm4b:s13+s2] =	stream.linear.scatter [tilespmem:s2], [sflag:$0x1], $0x800, $0x38;
	[tilespmem:$0x880] =	vst v63  }
0x1f: {  	s28 =	sor.u32 $0x2, s12;
	_ =	swait.ge [sflag:s7], $0x800  }
0x20: {  	s12 =	sshll.u32 s28, $0x8;
	[sflag:s7] =	ssyncset.done $0x0  }
0x21: {  	s12 =	sadd.s32 s14, s12;
	s13 =	sshll.u32 s28, $0x13;
	[sflag:s7] =	ssyncadd.s32 $0xFFFFF800  }
0x22: {  	[tilespmem:s2], [sflag:$0x1] =	stream.linear.gather [hbm4b:s12+s2], $0x800, $0x38;
	[tilespmem:$0x880] =	vst v63  }
0x23: {  	s18 =	sadd.s32 s13, s17;
	_ =	swait.ge [sflag:s7], $0x800  }
0x24: {  	s29 =	ssub.s32 $0x2, s15;
	s18 =	sshrl.u32 s18, $0x3;
	[sflag:s7] =	ssyncset.done $0x0  }
0x25: {  	s16 =	sshllo.u32 s16, $0x2;
	s18 =	sadd.s32 s1, s18;
	[sflag:s7] =	ssyncadd.s32 $0xFFFFF800  }
0x26: {  	[hbm4b:s18+s2] =	stream.linear.scatter [tilespmem:s2], [sflag:$0x1], $0x800, $0x38;
	[tilespmem:$0x880] =	vst v63  }
0x27: {  	s31 =	sshrl.u32 s29, $0x1;
	s30 =	sshll.u32 s16, $0x8;
	_ =	swait.ge [sflag:s7], $0x800  }
0x28: {  	s15 =	sshll.u32 s16, $0x13;
	s16 =	ssub.s32 s29, s31;
	[sflag:s7] =	ssyncset.done $0x0  }
0x29: {  	s16 =	smax.u32 s16, $0x1;
	s14 =	sadd.s32 s14, s30;
	[sflag:s7] =	ssyncadd.s32 $0xFFFFF800  }
0x2a: {  	[tilespmem:s2], [sflag:$0x1] =	stream.linear.gather [hbm4b:s14+s2], $0x800, $0x38;
	[tilespmem:$0x880] =	vst v63  }
0x2b: {  	p0 =	sne.s32 s16, $0x1;
	s17 =	sadd.s32 s15, s17;
	_ =	swait.ge [sflag:s7], $0x800  }
.Ltmp0:
0x2c: {  	s17 =	sshrl.u32 s17, $0x3;
	[sflag:s7] =	ssyncset.done $0x0;
	(pc) =	sbr.rel @!p0 .LBB2_2-.Ltmp0, $4  }
0x2d: {  	s17 =	sadd.s32 s1, s17;
	[sflag:s7] =	ssyncadd.s32 $0xFFFFF800  }
0x2e: {  	[hbm4b:s17+s2] =	stream.linear.scatter [tilespmem:s2], [sflag:$0x1], $0x800, $0x38;
	[tilespmem:$0x880] =	vst v63  }
0x2f: {  	_ =	swait.ge [sflag:s7], $0x800  }
0x30: {  	s16 =	sadd.s32 $0xFFFFFFFF, s16;
	[sflag:s7] =	ssyncset.done $0x0  }
.LBB2_1:
0x31: {  	p0 =	sne.s32 s16, $0x1;
	s16 =	sadd.s32 $0xFFFFFFFF, s16;
	[sflag:s7] =	ssyncadd.s32 $0xFFFFF800  }
0x32: {  	[tilespmem:s5], [sflag:$0x2] =	stream.linear.gather [hbm4b:s3+s2], $0x80, $0x38;
	[tilespmem:$0x880] =	vst v63  }
0x33: {  	_ =	swait.ge [sflag:s6], $0x80  }
0x34: {  	[sflag:s6] =	ssyncset.done $0x0  }
0x35: {  	[sflag:s6] =	ssyncadd.s32 $0xFFFFFF80  }
0x36: {  	v0 =	vld [tilespmem:$0x800]  }
0x37: {  	[tilespmem:s2], [sflag:$0x1] =	stream.linear.gather [hbm4b:s8+s2], $0x800, $0x38;
	[tilespmem:$0x880] =	vst v63  }
0x38: {  	_ =	swait.ge [sflag:s7], $0x800;
	_ =	sdelay $0x2  }
0x39: {  	(v2sf) =	vpush v0, $0x0;
	_ =	sdelay $0xe  }
0x3a: {  	s17 =	spop (v2sf)  }
0x3b: {  	[sflag:s7] =	ssyncset.done $0x0;
	s17 =	sshll.u32 s17, $0x7  }
0x3c: {  	s18 =	sadd.s32 s9, s17;
	s19 =	sadd.s32 s11, s17;
	s20 =	sadd.s32 s13, s17  }
0x3d: {  	s18 =	sshrl.u32 s18, $0x3;
	s19 =	sshrl.u32 s19, $0x3;
	s20 =	sshrl.u32 s20, $0x3  }
0x3e: {  	s17 =	sadd.s32 s15, s17;
	[sflag:s7] =	ssyncadd.s32 $0xFFFFF800;
	s18 =	sadd.s32 s1, s18  }
0x3f: {  	[hbm4b:s18+s2] =	stream.linear.scatter [tilespmem:s2], [sflag:$0x1], $0x800, $0x38;
	[tilespmem:$0x880] =	vst v63  }
0x40: {  	s17 =	sshrl.u32 s17, $0x3;
	_ =	swait.ge [sflag:s7], $0x800  }
0x41: {  	[sflag:s7] =	ssyncset.done $0x0  }
0x42: {  	[sflag:s7] =	ssyncadd.s32 $0xFFFFF800  }
0x43: {  	[tilespmem:s2], [sflag:$0x1] =	stream.linear.gather [hbm4b:s10+s2], $0x800, $0x38;
	[tilespmem:$0x880] =	vst v63  }
0x44: {  	_ =	swait.ge [sflag:s7], $0x800  }
0x45: {  	[sflag:s7] =	ssyncset.done $0x0  }
0x46: {  	s18 =	sadd.s32 s1, s19;
	[sflag:s7] =	ssyncadd.s32 $0xFFFFF800  }
0x47: {  	[hbm4b:s18+s2] =	stream.linear.scatter [tilespmem:s2], [sflag:$0x1], $0x800, $0x38;
	[tilespmem:$0x880] =	vst v63  }
0x48: {  	_ =	swait.ge [sflag:s7], $0x800  }
0x49: {  	[sflag:s7] =	ssyncset.done $0x0  }
0x4a: {  	[sflag:s7] =	ssyncadd.s32 $0xFFFFF800  }
0x4b: {  	[tilespmem:s2], [sflag:$0x1] =	stream.linear.gather [hbm4b:s12+s2], $0x800, $0x38;
	[tilespmem:$0x880] =	vst v63  }
0x4c: {  	_ =	swait.ge [sflag:s7], $0x800  }
0x4d: {  	[sflag:s7] =	ssyncset.done $0x0  }
0x4e: {  	s18 =	sadd.s32 s1, s20;
	[sflag:s7] =	ssyncadd.s32 $0xFFFFF800  }
0x4f: {  	[hbm4b:s18+s2] =	stream.linear.scatter [tilespmem:s2], [sflag:$0x1], $0x800, $0x38;
	[tilespmem:$0x880] =	vst v63  }
0x50: {  	_ =	swait.ge [sflag:s7], $0x800  }
0x51: {  	[sflag:s7] =	ssyncset.done $0x0  }
0x52: {  	[sflag:s7] =	ssyncadd.s32 $0xFFFFF800  }
0x53: {  	[tilespmem:s2], [sflag:$0x1] =	stream.linear.gather [hbm4b:s14+s2], $0x800, $0x38;
	[tilespmem:$0x880] =	vst v63  }
0x54: {  	_ =	swait.ge [sflag:s7], $0x800  }
.Ltmp1:
0x55: {  	[sflag:s7] =	ssyncset.done $0x0;
	(pc) =	sbr.rel @p0 .LBB2_1-.Ltmp1, $4  }
0x56: {  	s17 =	sadd.s32 s1, s17;
	[sflag:s7] =	ssyncadd.s32 $0xFFFFF800  }
0x57: {  	[hbm4b:s17+s2] =	stream.linear.scatter [tilespmem:s2], [sflag:$0x1], $0x800, $0x38;
	[tilespmem:$0x880] =	vst v63  }
0x58: {  	_ =	swait.ge [sflag:s7], $0x800  }
0x59: {  	[sflag:s7] =	ssyncset.done $0x0  }
.LBB2_2:
0x5a: {  	[sflag:s7] =	ssyncadd.s32 $0xFFFFF800  }
0x5b: {  	_ =	sfence.sel $0x180000  }
0x5c: {  	[bflag:$0x0] =	sbarrier.arrive $0xFFFF  }
0x5d: {  	p0 =	sne.s32 s4, $0x0;
	_ =	strace $0x90000047  }
0x5e: {  	s0 =	sadd.s32 @!p0 $0x100000, s0;
	[bflag:$0x2] =	sbarrier.arrive $0xFFFF  }
0x5f: {  	[sflag:s0] =	ssyncadd.tile.s32 @!p0 $0x1;
	_ =	shalt  }
.Lfunc_end2:
_tile_overlayer_lowered:
.L_overlay_start_2:
0x60: {  	(tag) =	ssettag $0x2  }
0x61: {  	s0 =	rddreg [dreg:$0x0];
	s2 =	stileid.u32  }
0x62: {  	s1 =	rddreg [dreg:$0x1];
	p0 =	sne.s32 s2, $0x0  }
0x63: {  	s3 =	rddreg [dreg:$0x2];
	[bflag:$0x3] =	sbarrier.arrive $0xFFFF;
	s2 =	simm.s32 @!p0 $0x1C02  }
0x64: {  	[timem:s3], [sflag:s2] =	dma.local @!p0 [hbm:s0], s1  }
0x65: {  	s0 =	simm.s32 @!p0 $0x2  }
0x66: {  	_ =	swait.ge @!p0 [sflag:s0], s1  }
0x67: {  	s1 =	ssub.s32 @!p0 $0x0, s1;
	[sflag:s0] =	ssyncset.done @!p0 $0x0  }
0x68: {  	[sflag:s0] =	ssyncadd.s32 @!p0 s1  }
0x69: {  	[bflag:$0x3] =	sbarrier.arrive $0xFFFF  }
0x6a: {  	_ =	shalt  }

</sc_bundles>
